<compile_context>
chip_gen: v7x
topology: tpu7x:2x2x1
jax: 0.10.2.dev20260603
libtpu: 0.0.44.dev20260713+nightly
codegen_flags: <defaults>
</compile_context>

<pallas_src>
import jax
import jax.numpy as jnp
from jax import lax
from jax.experimental import pallas as pl
from jax.experimental.pallas import tpu as pltpu
from jax.experimental.pallas import tpu_sc as plsc

_NBINS = 21
_PACKED = 48


def _scs_body(packed_hbm, out_hbm, buf_s, out_s):
    cid = lax.axis_index("c")

    @pl.when(cid == 0)
    def _():
        pltpu.sync_copy(packed_hbm, buf_s)
        pred = buf_s[0]
        res = buf_s[1 + _NBINS - 1] + buf_s[1 + _NBINS + _NBINS - 1]
        for j in range(_NBINS - 2, -1, -1):
            hit = pred <= buf_s[1 + j]
            res = jnp.where(hit, buf_s[1 + j] + buf_s[1 + _NBINS + j], res)
        out_s[0] = res
        pltpu.sync_copy(out_s, out_hbm)


_scs_call = pl.kernel(
    _scs_body,
    out_type=jax.ShapeDtypeStruct((1,), jnp.float32),
    mesh=plsc.ScalarSubcoreMesh(axis_name="c", num_cores=1),
    scratch_types=[
        pltpu.SMEM((_PACKED,), jnp.float32),
        pltpu.SMEM((1,), jnp.float32),
    ],
)


@jax.jit
def kernel(prediction, bin_values, theta):
    packed = jnp.concatenate(
        [
            prediction,
            bin_values,
            theta,
            jnp.zeros((_PACKED - 1 - 2 * _NBINS,), jnp.float32),
        ]
    )
    return _scs_call(packed)

# --- scband reference (transcript-rebuilt; emitter-appended) ---
"""Pipeline reference for scband-not-quite-calibration-model-78297253806256 (READ-ONLY COPY).

The authoritative reference and input builder live on the scoring server;
editing this copy changes nothing except your own understanding.
"""

import jax, jax.numpy as jnp
import numpy as np

BIN_VALUES = np.array([0.0, 0.05, 0.1, 0.15, 0.2, 0.25, 0.3, 0.35, 0.4, 0.45, 0.5, 0.55, 0.6, 0.65, 0.7, 0.75, 0.8, 0.85, 0.9, 0.95, 1.0], dtype=np.float32)


def setup_inputs(seed: int = 0) -> dict:
    key = jax.random.key(seed)
    prediction = jax.random.uniform(key, (1,), dtype=jnp.float32)
    bin_values = jnp.asarray(BIN_VALUES)
    theta = jnp.zeros((BIN_VALUES.shape[0],), dtype=jnp.float32)
    return {"prediction": prediction, "bin_values": bin_values, "theta": theta}


def reference(prediction, bin_values, theta):
    # torch.bucketize(prediction, boundaries) with right=False == searchsorted side='left'
    i_t = jnp.searchsorted(bin_values, prediction, side='left')
    # min(i_t, len(bin_values) - 1) -> clamp index
    idx = jnp.minimum(i_t, bin_values.shape[0] - 1)
    binned_prediction = bin_values[idx]
    adjusted_prediction = binned_prediction + theta[idx]
    return adjusted_prediction

if __name__ == "__main__":
    import jax
    _d = setup_inputs()
    print(jax.jit(kernel)(*tuple(_d.values())))

</pallas_src>

<mosaic_0001>
#map = affine_map<(d0) -> (0)>
module attributes {stable_mosaic.version = 14 : i64} {
  func.func @_scs_body(%arg0: i32, %arg1: memref<48xf32, #tpu.memory_space<hbm>>, %arg2: memref<1xf32, #tpu.memory_space<hbm>>, %arg3: memref<48xf32, #tpu.memory_space<smem>>, %arg4: memref<1xf32, #tpu.memory_space<smem>>) attributes {dimension_semantics = [#tpu.dimension_semantics<core_parallel>], iteration_bounds = array<i64: 1>, scalar_prefetch = 0 : i64, scratch_operands = 2 : i64, tpu.core_type = #tpu.core_type<sc_scalar_subcore>, window_params = [{transform_indices = #map}, {transform_indices = #map}]} {
    %eq3A = arith.constant 0 : i32
    %eq3A_0 = arith.cmpi eq, %arg0, %eq3A : i32
    %convert_element_type3A = arith.extui %eq3A_0 : i1 to i32
    %cond3A = arith.constant 0 : i32
    %cond3A_1 = arith.cmpi ne, %convert_element_type3A, %cond3A : i32
    scf.if %cond3A_1 {
      "tpu.region"() ({
        %run_scoped3A = tpu.sem_alloc : memref<!tpu.dma_semaphore, #tpu.memory_space<semaphore_mem>>
        tpu.enqueue_dma source(%arg1 : memref<48xf32, #tpu.memory_space<hbm>>) target(%arg3 : memref<48xf32, #tpu.memory_space<smem>>) target_semaphore(%run_scoped3A : memref<!tpu.dma_semaphore, #tpu.memory_space<semaphore_mem>>)
        tpu.wait_dma2 semaphore(%run_scoped3A : memref<!tpu.dma_semaphore, #tpu.memory_space<semaphore_mem>>) src(%arg1 : memref<48xf32, #tpu.memory_space<hbm>>) dst(%arg3 : memref<48xf32, #tpu.memory_space<smem>>)
        tpu.yield
      }) : () -> ()
      %get3A = arith.constant 0 : i32
      %get3A_2 = arith.index_cast %get3A : i32 to index
      %get3A_3 = memref.load %arg3[%get3A_2] : memref<48xf32, #tpu.memory_space<smem>>
      %get3A_4 = arith.constant 21 : i32
      %get3A_5 = arith.index_cast %get3A_4 : i32 to index
      %get3A_6 = memref.load %arg3[%get3A_5] : memref<48xf32, #tpu.memory_space<smem>>
      %get3A_7 = arith.constant 42 : i32
      %get3A_8 = arith.index_cast %get3A_7 : i32 to index
      %get3A_9 = memref.load %arg3[%get3A_8] : memref<48xf32, #tpu.memory_space<smem>>
      %add3A = arith.addf %get3A_6, %get3A_9 : f32
      %get3A_10 = arith.constant 20 : i32
      %get3A_11 = arith.index_cast %get3A_10 : i32 to index
      %get3A_12 = memref.load %arg3[%get3A_11] : memref<48xf32, #tpu.memory_space<smem>>
      %le3A = arith.cmpf ole, %get3A_3, %get3A_12 : f32
      %get3A_13 = arith.constant 20 : i32
      %get3A_14 = arith.index_cast %get3A_13 : i32 to index
      %get3A_15 = memref.load %arg3[%get3A_14] : memref<48xf32, #tpu.memory_space<smem>>
      %get3A_16 = arith.constant 41 : i32
      %get3A_17 = arith.index_cast %get3A_16 : i32 to index
      %get3A_18 = memref.load %arg3[%get3A_17] : memref<48xf32, #tpu.memory_space<smem>>
      %add3A_19 = arith.addf %get3A_15, %get3A_18 : f32
      %select_n3A = arith.select %le3A, %add3A_19, %add3A : f32
      %get3A_20 = arith.constant 19 : i32
      %get3A_21 = arith.index_cast %get3A_20 : i32 to index
      %get3A_22 = memref.load %arg3[%get3A_21] : memref<48xf32, #tpu.memory_space<smem>>
      %le3A_23 = arith.cmpf ole, %get3A_3, %get3A_22 : f32
      %get3A_24 = arith.constant 19 : i32
      %get3A_25 = arith.index_cast %get3A_24 : i32 to index
      %get3A_26 = memref.load %arg3[%get3A_25] : memref<48xf32, #tpu.memory_space<smem>>
      %get3A_27 = arith.constant 40 : i32
      %get3A_28 = arith.index_cast %get3A_27 : i32 to index
      %get3A_29 = memref.load %arg3[%get3A_28] : memref<48xf32, #tpu.memory_space<smem>>
      %add3A_30 = arith.addf %get3A_26, %get3A_29 : f32
      %select_n3A_31 = arith.select %le3A_23, %add3A_30, %select_n3A : f32
      %get3A_32 = arith.constant 18 : i32
      %get3A_33 = arith.index_cast %get3A_32 : i32 to index
      %get3A_34 = memref.load %arg3[%get3A_33] : memref<48xf32, #tpu.memory_space<smem>>
      %le3A_35 = arith.cmpf ole, %get3A_3, %get3A_34 : f32
      %get3A_36 = arith.constant 18 : i32
      %get3A_37 = arith.index_cast %get3A_36 : i32 to index
      %get3A_38 = memref.load %arg3[%get3A_37] : memref<48xf32, #tpu.memory_space<smem>>
      %get3A_39 = arith.constant 39 : i32
      %get3A_40 = arith.index_cast %get3A_39 : i32 to index
      %get3A_41 = memref.load %arg3[%get3A_40] : memref<48xf32, #tpu.memory_space<smem>>
      %add3A_42 = arith.addf %get3A_38, %get3A_41 : f32
      %select_n3A_43 = arith.select %le3A_35, %add3A_42, %select_n3A_31 : f32
      %get3A_44 = arith.constant 17 : i32
      %get3A_45 = arith.index_cast %get3A_44 : i32 to index
      %get3A_46 = memref.load %arg3[%get3A_45] : memref<48xf32, #tpu.memory_space<smem>>
      %le3A_47 = arith.cmpf ole, %get3A_3, %get3A_46 : f32
      %get3A_48 = arith.constant 17 : i32
      %get3A_49 = arith.index_cast %get3A_48 : i32 to index
      %get3A_50 = memref.load %arg3[%get3A_49] : memref<48xf32, #tpu.memory_space<smem>>
      %get3A_51 = arith.constant 38 : i32
      %get3A_52 = arith.index_cast %get3A_51 : i32 to index
      %get3A_53 = memref.load %arg3[%get3A_52] : memref<48xf32, #tpu.memory_space<smem>>
      %add3A_54 = arith.addf %get3A_50, %get3A_53 : f32
      %select_n3A_55 = arith.select %le3A_47, %add3A_54, %select_n3A_43 : f32
      %get3A_56 = arith.constant 16 : i32
      %get3A_57 = arith.index_cast %get3A_56 : i32 to index
      %get3A_58 = memref.load %arg3[%get3A_57] : memref<48xf32, #tpu.memory_space<smem>>
      %le3A_59 = arith.cmpf ole, %get3A_3, %get3A_58 : f32
      %get3A_60 = arith.constant 16 : i32
      %get3A_61 = arith.index_cast %get3A_60 : i32 to index
      %get3A_62 = memref.load %arg3[%get3A_61] : memref<48xf32, #tpu.memory_space<smem>>
      %get3A_63 = arith.constant 37 : i32
      %get3A_64 = arith.index_cast %get3A_63 : i32 to index
      %get3A_65 = memref.load %arg3[%get3A_64] : memref<48xf32, #tpu.memory_space<smem>>
      %add3A_66 = arith.addf %get3A_62, %get3A_65 : f32
      %select_n3A_67 = arith.select %le3A_59, %add3A_66, %select_n3A_55 : f32
      %get3A_68 = arith.constant 15 : i32
      %get3A_69 = arith.index_cast %get3A_68 : i32 to index
      %get3A_70 = memref.load %arg3[%get3A_69] : memref<48xf32, #tpu.memory_space<smem>>
      %le3A_71 = arith.cmpf ole, %get3A_3, %get3A_70 : f32
      %get3A_72 = arith.constant 15 : i32
      %get3A_73 = arith.index_cast %get3A_72 : i32 to index
      %get3A_74 = memref.load %arg3[%get3A_73] : memref<48xf32, #tpu.memory_space<smem>>
      %get3A_75 = arith.constant 36 : i32
      %get3A_76 = arith.index_cast %get3A_75 : i32 to index
      %get3A_77 = memref.load %arg3[%get3A_76] : memref<48xf32, #tpu.memory_space<smem>>
      %add3A_78 = arith.addf %get3A_74, %get3A_77 : f32
      %select_n3A_79 = arith.select %le3A_71, %add3A_78, %select_n3A_67 : f32
      %get3A_80 = arith.constant 14 : i32
      %get3A_81 = arith.index_cast %get3A_80 : i32 to index
      %get3A_82 = memref.load %arg3[%get3A_81] : memref<48xf32, #tpu.memory_space<smem>>
      %le3A_83 = arith.cmpf ole, %get3A_3, %get3A_82 : f32
      %get3A_84 = arith.constant 14 : i32
      %get3A_85 = arith.index_cast %get3A_84 : i32 to index
      %get3A_86 = memref.load %arg3[%get3A_85] : memref<48xf32, #tpu.memory_space<smem>>
      %get3A_87 = arith.constant 35 : i32
      %get3A_88 = arith.index_cast %get3A_87 : i32 to index
      %get3A_89 = memref.load %arg3[%get3A_88] : memref<48xf32, #tpu.memory_space<smem>>
      %add3A_90 = arith.addf %get3A_86, %get3A_89 : f32
      %select_n3A_91 = arith.select %le3A_83, %add3A_90, %select_n3A_79 : f32
      %get3A_92 = arith.constant 13 : i32
      %get3A_93 = arith.index_cast %get3A_92 : i32 to index
      %get3A_94 = memref.load %arg3[%get3A_93] : memref<48xf32, #tpu.memory_space<smem>>
      %le3A_95 = arith.cmpf ole, %get3A_3, %get3A_94 : f32
      %get3A_96 = arith.constant 13 : i32
      %get3A_97 = arith.index_cast %get3A_96 : i32 to index
      %get3A_98 = memref.load %arg3[%get3A_97] : memref<48xf32, #tpu.memory_space<smem>>
      %get3A_99 = arith.constant 34 : i32
      %get3A_100 = arith.index_cast %get3A_99 : i32 to index
      %get3A_101 = memref.load %arg3[%get3A_100] : memref<48xf32, #tpu.memory_space<smem>>
      %add3A_102 = arith.addf %get3A_98, %get3A_101 : f32
      %select_n3A_103 = arith.select %le3A_95, %add3A_102, %select_n3A_91 : f32
      %get3A_104 = arith.constant 12 : i32
      %get3A_105 = arith.index_cast %get3A_104 : i32 to index
      %get3A_106 = memref.load %arg3[%get3A_105] : memref<48xf32, #tpu.memory_space<smem>>
      %le3A_107 = arith.cmpf ole, %get3A_3, %get3A_106 : f32
      %get3A_108 = arith.constant 12 : i32
      %get3A_109 = arith.index_cast %get3A_108 : i32 to index
      %get3A_110 = memref.load %arg3[%get3A_109] : memref<48xf32, #tpu.memory_space<smem>>
      %get3A_111 = arith.constant 33 : i32
      %get3A_112 = arith.index_cast %get3A_111 : i32 to index
      %get3A_113 = memref.load %arg3[%get3A_112] : memref<48xf32, #tpu.memory_space<smem>>
      %add3A_114 = arith.addf %get3A_110, %get3A_113 : f32
      %select_n3A_115 = arith.select %le3A_107, %add3A_114, %select_n3A_103 : f32
      %get3A_116 = arith.constant 11 : i32
      %get3A_117 = arith.index_cast %get3A_116 : i32 to index
      %get3A_118 = memref.load %arg3[%get3A_117] : memref<48xf32, #tpu.memory_space<smem>>
      %le3A_119 = arith.cmpf ole, %get3A_3, %get3A_118 : f32
      %get3A_120 = arith.constant 11 : i32
      %get3A_121 = arith.index_cast %get3A_120 : i32 to index
      %get3A_122 = memref.load %arg3[%get3A_121] : memref<48xf32, #tpu.memory_space<smem>>
      %get3A_123 = arith.constant 32 : i32
      %get3A_124 = arith.index_cast %get3A_123 : i32 to index
      %get3A_125 = memref.load %arg3[%get3A_124] : memref<48xf32, #tpu.memory_space<smem>>
      %add3A_126 = arith.addf %get3A_122, %get3A_125 : f32
      %select_n3A_127 = arith.select %le3A_119, %add3A_126, %select_n3A_115 : f32
      %get3A_128 = arith.constant 10 : i32
      %get3A_129 = arith.index_cast %get3A_128 : i32 to index
      %get3A_130 = memref.load %arg3[%get3A_129] : memref<48xf32, #tpu.memory_space<smem>>
      %le3A_131 = arith.cmpf ole, %get3A_3, %get3A_130 : f32
      %get3A_132 = arith.constant 10 : i32
      %get3A_133 = arith.index_cast %get3A_132 : i32 to index
      %get3A_134 = memref.load %arg3[%get3A_133] : memref<48xf32, #tpu.memory_space<smem>>
      %get3A_135 = arith.constant 31 : i32
      %get3A_136 = arith.index_cast %get3A_135 : i32 to index
      %get3A_137 = memref.load %arg3[%get3A_136] : memref<48xf32, #tpu.memory_space<smem>>
      %add3A_138 = arith.addf %get3A_134, %get3A_137 : f32
      %select_n3A_139 = arith.select %le3A_131, %add3A_138, %select_n3A_127 : f32
      %get3A_140 = arith.constant 9 : i32
      %get3A_141 = arith.index_cast %get3A_140 : i32 to index
      %get3A_142 = memref.load %arg3[%get3A_141] : memref<48xf32, #tpu.memory_space<smem>>
      %le3A_143 = arith.cmpf ole, %get3A_3, %get3A_142 : f32
      %get3A_144 = arith.constant 9 : i32
      %get3A_145 = arith.index_cast %get3A_144 : i32 to index
      %get3A_146 = memref.load %arg3[%get3A_145] : memref<48xf32, #tpu.memory_space<smem>>
      %get3A_147 = arith.constant 30 : i32
      %get3A_148 = arith.index_cast %get3A_147 : i32 to index
      %get3A_149 = memref.load %arg3[%get3A_148] : memref<48xf32, #tpu.memory_space<smem>>
      %add3A_150 = arith.addf %get3A_146, %get3A_149 : f32
      %select_n3A_151 = arith.select %le3A_143, %add3A_150, %select_n3A_139 : f32
      %get3A_152 = arith.constant 8 : i32
      %get3A_153 = arith.index_cast %get3A_152 : i32 to index
      %get3A_154 = memref.load %arg3[%get3A_153] : memref<48xf32, #tpu.memory_space<smem>>
      %le3A_155 = arith.cmpf ole, %get3A_3, %get3A_154 : f32
      %get3A_156 = arith.constant 8 : i32
      %get3A_157 = arith.index_cast %get3A_156 : i32 to index
      %get3A_158 = memref.load %arg3[%get3A_157] : memref<48xf32, #tpu.memory_space<smem>>
      %get3A_159 = arith.constant 29 : i32
      %get3A_160 = arith.index_cast %get3A_159 : i32 to index
      %get3A_161 = memref.load %arg3[%get3A_160] : memref<48xf32, #tpu.memory_space<smem>>
      %add3A_162 = arith.addf %get3A_158, %get3A_161 : f32
      %select_n3A_163 = arith.select %le3A_155, %add3A_162, %select_n3A_151 : f32
      %get3A_164 = arith.constant 7 : i32
      %get3A_165 = arith.index_cast %get3A_164 : i32 to index
      %get3A_166 = memref.load %arg3[%get3A_165] : memref<48xf32, #tpu.memory_space<smem>>
      %le3A_167 = arith.cmpf ole, %get3A_3, %get3A_166 : f32
      %get3A_168 = arith.constant 7 : i32
      %get3A_169 = arith.index_cast %get3A_168 : i32 to index
      %get3A_170 = memref.load %arg3[%get3A_169] : memref<48xf32, #tpu.memory_space<smem>>
      %get3A_171 = arith.constant 28 : i32
      %get3A_172 = arith.index_cast %get3A_171 : i32 to index
      %get3A_173 = memref.load %arg3[%get3A_172] : memref<48xf32, #tpu.memory_space<smem>>
      %add3A_174 = arith.addf %get3A_170, %get3A_173 : f32
      %select_n3A_175 = arith.select %le3A_167, %add3A_174, %select_n3A_163 : f32
      %get3A_176 = arith.constant 6 : i32
      %get3A_177 = arith.index_cast %get3A_176 : i32 to index
      %get3A_178 = memref.load %arg3[%get3A_177] : memref<48xf32, #tpu.memory_space<smem>>
      %le3A_179 = arith.cmpf ole, %get3A_3, %get3A_178 : f32
      %get3A_180 = arith.constant 6 : i32
      %get3A_181 = arith.index_cast %get3A_180 : i32 to index
      %get3A_182 = memref.load %arg3[%get3A_181] : memref<48xf32, #tpu.memory_space<smem>>
      %get3A_183 = arith.constant 27 : i32
      %get3A_184 = arith.index_cast %get3A_183 : i32 to index
      %get3A_185 = memref.load %arg3[%get3A_184] : memref<48xf32, #tpu.memory_space<smem>>
      %add3A_186 = arith.addf %get3A_182, %get3A_185 : f32
      %select_n3A_187 = arith.select %le3A_179, %add3A_186, %select_n3A_175 : f32
      %get3A_188 = arith.constant 5 : i32
      %get3A_189 = arith.index_cast %get3A_188 : i32 to index
      %get3A_190 = memref.load %arg3[%get3A_189] : memref<48xf32, #tpu.memory_space<smem>>
      %le3A_191 = arith.cmpf ole, %get3A_3, %get3A_190 : f32
      %get3A_192 = arith.constant 5 : i32
      %get3A_193 = arith.index_cast %get3A_192 : i32 to index
      %get3A_194 = memref.load %arg3[%get3A_193] : memref<48xf32, #tpu.memory_space<smem>>
      %get3A_195 = arith.constant 26 : i32
      %get3A_196 = arith.index_cast %get3A_195 : i32 to index
      %get3A_197 = memref.load %arg3[%get3A_196] : memref<48xf32, #tpu.memory_space<smem>>
      %add3A_198 = arith.addf %get3A_194, %get3A_197 : f32
      %select_n3A_199 = arith.select %le3A_191, %add3A_198, %select_n3A_187 : f32
      %get3A_200 = arith.constant 4 : i32
      %get3A_201 = arith.index_cast %get3A_200 : i32 to index
      %get3A_202 = memref.load %arg3[%get3A_201] : memref<48xf32, #tpu.memory_space<smem>>
      %le3A_203 = arith.cmpf ole, %get3A_3, %get3A_202 : f32
      %get3A_204 = arith.constant 4 : i32
      %get3A_205 = arith.index_cast %get3A_204 : i32 to index
      %get3A_206 = memref.load %arg3[%get3A_205] : memref<48xf32, #tpu.memory_space<smem>>
      %get3A_207 = arith.constant 25 : i32
      %get3A_208 = arith.index_cast %get3A_207 : i32 to index
      %get3A_209 = memref.load %arg3[%get3A_208] : memref<48xf32, #tpu.memory_space<smem>>
      %add3A_210 = arith.addf %get3A_206, %get3A_209 : f32
      %select_n3A_211 = arith.select %le3A_203, %add3A_210, %select_n3A_199 : f32
      %get3A_212 = arith.constant 3 : i32
      %get3A_213 = arith.index_cast %get3A_212 : i32 to index
      %get3A_214 = memref.load %arg3[%get3A_213] : memref<48xf32, #tpu.memory_space<smem>>
      %le3A_215 = arith.cmpf ole, %get3A_3, %get3A_214 : f32
      %get3A_216 = arith.constant 3 : i32
      %get3A_217 = arith.index_cast %get3A_216 : i32 to index
      %get3A_218 = memref.load %arg3[%get3A_217] : memref<48xf32, #tpu.memory_space<smem>>
      %get3A_219 = arith.constant 24 : i32
      %get3A_220 = arith.index_cast %get3A_219 : i32 to index
      %get3A_221 = memref.load %arg3[%get3A_220] : memref<48xf32, #tpu.memory_space<smem>>
      %add3A_222 = arith.addf %get3A_218, %get3A_221 : f32
      %select_n3A_223 = arith.select %le3A_215, %add3A_222, %select_n3A_211 : f32
      %get3A_224 = arith.constant 2 : i32
      %get3A_225 = arith.index_cast %get3A_224 : i32 to index
      %get3A_226 = memref.load %arg3[%get3A_225] : memref<48xf32, #tpu.memory_space<smem>>
      %le3A_227 = arith.cmpf ole, %get3A_3, %get3A_226 : f32
      %get3A_228 = arith.constant 2 : i32
      %get3A_229 = arith.index_cast %get3A_228 : i32 to index
      %get3A_230 = memref.load %arg3[%get3A_229] : memref<48xf32, #tpu.memory_space<smem>>
      %get3A_231 = arith.constant 23 : i32
      %get3A_232 = arith.index_cast %get3A_231 : i32 to index
      %get3A_233 = memref.load %arg3[%get3A_232] : memref<48xf32, #tpu.memory_space<smem>>
      %add3A_234 = arith.addf %get3A_230, %get3A_233 : f32
      %select_n3A_235 = arith.select %le3A_227, %add3A_234, %select_n3A_223 : f32
      %get3A_236 = arith.constant 1 : i32
      %get3A_237 = arith.index_cast %get3A_236 : i32 to index
      %get3A_238 = memref.load %arg3[%get3A_237] : memref<48xf32, #tpu.memory_space<smem>>
      %le3A_239 = arith.cmpf ole, %get3A_3, %get3A_238 : f32
      %get3A_240 = arith.constant 1 : i32
      %get3A_241 = arith.index_cast %get3A_240 : i32 to index
      %get3A_242 = memref.load %arg3[%get3A_241] : memref<48xf32, #tpu.memory_space<smem>>
      %get3A_243 = arith.constant 22 : i32
      %get3A_244 = arith.index_cast %get3A_243 : i32 to index
      %get3A_245 = memref.load %arg3[%get3A_244] : memref<48xf32, #tpu.memory_space<smem>>
      %add3A_246 = arith.addf %get3A_242, %get3A_245 : f32
      %select_n3A_247 = arith.select %le3A_239, %add3A_246, %select_n3A_235 : f32
      %swap3A = arith.constant 0 : i32
      %swap3A_248 = arith.index_cast %swap3A : i32 to index
      %swap3A_249 = memref.load %arg4[%swap3A_248] : memref<1xf32, #tpu.memory_space<smem>>
      memref.store %select_n3A_247, %arg4[%swap3A_248] : memref<1xf32, #tpu.memory_space<smem>>
      "tpu.region"() ({
        %run_scoped3A = tpu.sem_alloc : memref<!tpu.dma_semaphore, #tpu.memory_space<semaphore_mem>>
        tpu.enqueue_dma source(%arg4 : memref<1xf32, #tpu.memory_space<smem>>) target(%arg2 : memref<1xf32, #tpu.memory_space<hbm>>) target_semaphore(%run_scoped3A : memref<!tpu.dma_semaphore, #tpu.memory_space<semaphore_mem>>)
        tpu.wait_dma2 semaphore(%run_scoped3A : memref<!tpu.dma_semaphore, #tpu.memory_space<semaphore_mem>>) src(%arg4 : memref<1xf32, #tpu.memory_space<smem>>) dst(%arg2 : memref<1xf32, #tpu.memory_space<hbm>>)
        tpu.yield
      }) : () -> ()
    } else {
    }
    return
  }
}

</mosaic_0001>

<sc_bundles>
// kernel: kernel.3.cloned.1.call-start
scs
__scs_entry_jumppad:
0x0: {  	(pc) =	sbr.rel $0x88, $3  }
0x1: {  	(tag) =	ssettag $0x0;
	lr =	simm.s32 $0x1  }
0x2: {  	[smem:$0x3F9E] =	sst lr;
	_ =	strace $0xD0000000  }
0x3: {  	_ = 	snop  }
0x4: {  	_ = 	snop  }
0x5: {  	_ = 	snop  }
0x6: {  	_ = 	snop  }
0x7: {  	_ = 	snop  }
__scs_overlays_trampoline_lowered:
0x8: {  	[smem:$0x3FAD] =	sst s0  }
0x9: {  	[smem:$0x3FAE] =	sst s1  }
0xa: {  	[smem:$0x3FAF] =	sst s2  }
0xb: {  	[smem:$0x3FB0] =	sst s3  }
0xc: {  	[smem:$0x3FB1] =	sst s4  }
0xd: {  	[smem:$0x3FB2] =	sst s5  }
0xe: {  	[smem:$0x3FB3] =	sst s6  }
0xf: {  	[smem:$0x3FB4] =	sst s7  }
0x10: {  	[smem:$0x3FB5] =	sst s8  }
0x11: {  	[smem:$0x3FB6] =	sst s9;
	s0 =	simm.s32 @!p0 $0x0  }
0x12: {  	s1 =	sld [smem:$0x3F9C];
	s0 =	simm.s32 @p0 $0x1  }
0x13: {  	[smem:$0x3FB7] =	sst s0;
	s0 =	simm.s32 @!p1 $0x0  }
0x14: {  	s2 =	sld [smem:$0x3F9B];
	s0 =	simm.s32 @p1 $0x1  }
0x15: {  	[smem:$0x3FB8] =	sst s0;
	s0 =	simm.s32 @!p2 $0x0  }
0x16: {  	s3 =	sld [smem:$0x3FDB];
	s0 =	simm.s32 @p2 $0x1  }
0x17: {  	s4 =	simm.s32 $0x1BF5;
	[smem:$0x3FBA] =	sst s0  }
0x18: {  	s0 =	sld [smem:$0x3F9D];
	_ =	swait.ge [sflag:s4], $0x0  }
0x19: {  	s7 =	sld [smem:$0x3F9E]  }
0x1a: {  	s8 =	sadd.s32 $0xFFFFE003, lr  }
0x1b: {  	s9 =	sadd.s32 $0xFFFFFEF7, lr;
	s5 =	simm.s32 $0xFFFFFFFF;
	p2 =	slt.u32 s8, $0xFFFFF086  }
0x1c: {  	p1 =	slt.u32 s9, $0xF7A;
	s5 =	simm.s32 @!p2 $0x0  }
0x1d: {  	s5 =	simm.s32 @p1 $0x1;
	p0 =	seq.s32 s7, s2  }
0x1e: {  	s7 =	smul.u32 @!p0 $0xF7A, s2;
	p2 =	seq.s32 @!p0 s5, $0x0  }
0x1f: {  	s9 =	smul.u32 $0xF7A, s1;
	s8 =	simm.s32 @!p0 $0x1BF5;
	p2 =	por !p2, p0  }
0x20: {  	[sflag:s8] =	ssyncset.s32 @!p0 $0xFFFFF086;
	s6 =	sadd.s32 @!p0 s3, s7;
	s7 =	simm.s32 @!p0 $0x108  }
0x21: {  	s3 =	sadd.s32 s3, s9;
	s6 =	sadd.s32 @!p0 $0x88, s6;
	s7 =	simm.s32 @p2 $0x1082  }
0x22: {  	[simem:s7], [sflag:s8] =	dma.local @!p0 [hbm:s6], $0xF7A  }
0x23: {  	s9 =	sor.u32 $0xD0000000, s2;
	s6 =	simm.s32 $0x108;
	_ =	swait.ge @!p0 [sflag:s8], $0x0  }
0x24: {  	s3 =	sadd.s32 $0x88, s3;
	s6 =	simm.s32 @!p1 $0x1082;
	[sflag:s4] =	ssyncset.s32 $0xFFFFF086  }
0x25: {  	[simem:s6], [sflag:s4] =	dma.local [hbm:s3], $0xF7A  }
0x26: {  	[smem:$0x3F9E] =	sst s1;
	(tag) =	ssettag s2;
	_ =	strace s9  }
0x27: {  	s1 =	sld [smem:$0x3FAE]  }
0x28: {  	s2 =	sld [smem:$0x3FAF]  }
0x29: {  	s4 =	sld [smem:$0x3FB1]  }
0x2a: {  	p0 =	seq.s32 s5, $0x0;
	s5 =	sld [smem:$0x3FB2]  }
0x2b: {  	s6 =	sld [smem:$0x3FB3]  }
0x2c: {  	s7 =	sld [smem:$0x3FB4]  }
0x2d: {  	s3 =	simm.s32 $0x108;
	s8 =	sld [smem:$0x3FB5]  }
0x2e: {  	s3 =	simm.s32 @!p0 $0x1082;
	s9 =	sld [smem:$0x3FB6]  }
0x2f: {  	lr =	sadd.s32 s0, s3;
	s0 =	sld [smem:$0x3FAD]  }
0x30: {  	s3 =	sld [smem:$0x3FB0]  }
0x31: {  	[smem:$0x3FB9] =	sst s10  }
0x32: {  	s10 =	sld [smem:$0x3FB7];
	_ =	sdelay $0x3  }
0x33: {  	p0 =	seq.s32 s10, $0x1;
	s10 =	sld [smem:$0x3FB9];
	_ =	sdelay $0x3  }
0x34: {  	[smem:$0x3FB9] =	sst s10  }
0x35: {  	s10 =	sld [smem:$0x3FB8];
	_ =	sdelay $0x3  }
0x36: {  	p1 =	seq.s32 s10, $0x1;
	s10 =	sld [smem:$0x3FB9];
	_ =	sdelay $0x3  }
0x37: {  	[smem:$0x3FB9] =	sst s10  }
0x38: {  	s10 =	sld [smem:$0x3FBA]  }
0x39: {  	_ = 	snop;
	(pc) =	sbr.ind lr, $3  }
0x3a: {  	_ = 	snop  }
0x3b: {  	_ = 	snop  }
0x3c: {  	p2 =	seq.s32 s10, $0x1;
	s10 =	sld [smem:$0x3FB9]  }
0x3d: {  	_ =	shalt  }
0x3e: {  	_ =	shalt  }
0x3f: {  	_ =	shalt  }
0x40: {  	_ =	shalt  }
0x41: {  	_ =	shalt  }
0x42: {  	_ =	shalt  }
0x43: {  	_ =	shalt  }
0x44: {  	_ =	shalt  }
0x45: {  	_ =	shalt  }
0x46: {  	_ =	shalt  }
0x47: {  	_ =	shalt  }
0x48: {  	_ =	shalt  }
0x49: {  	_ =	shalt  }
0x4a: {  	_ =	shalt  }
0x4b: {  	_ =	shalt  }
0x4c: {  	_ =	shalt  }
0x4d: {  	_ =	shalt  }
0x4e: {  	_ =	shalt  }
0x4f: {  	_ =	shalt  }
0x50: {  	_ =	shalt  }
0x51: {  	_ =	shalt  }
0x52: {  	_ =	shalt  }
0x53: {  	_ =	shalt  }
0x54: {  	_ =	shalt  }
0x55: {  	_ =	shalt  }
0x56: {  	_ =	shalt  }
0x57: {  	_ =	shalt  }
0x58: {  	_ =	shalt  }
0x59: {  	_ =	shalt  }
0x5a: {  	_ =	shalt  }
0x5b: {  	_ =	shalt  }
0x5c: {  	_ =	shalt  }
0x5d: {  	_ =	shalt  }
0x5e: {  	_ =	shalt  }
0x5f: {  	_ =	shalt  }
0x60: {  	_ =	shalt  }
0x61: {  	_ =	shalt  }
0x62: {  	_ =	shalt  }
0x63: {  	_ =	shalt  }
0x64: {  	_ =	shalt  }
0x65: {  	_ =	shalt  }
0x66: {  	_ =	shalt  }
0x67: {  	_ =	shalt  }
0x68: {  	_ =	shalt  }
0x69: {  	_ =	shalt  }
0x6a: {  	_ =	shalt  }
0x6b: {  	_ =	shalt  }
0x6c: {  	_ =	shalt  }
0x6d: {  	_ =	shalt  }
0x6e: {  	_ =	shalt  }
0x6f: {  	_ =	shalt  }
0x70: {  	_ =	shalt  }
0x71: {  	_ =	shalt  }
0x72: {  	_ =	shalt  }
0x73: {  	_ =	shalt  }
0x74: {  	_ =	shalt  }
0x75: {  	_ =	shalt  }
0x76: {  	_ =	shalt  }
0x77: {  	_ =	shalt  }
0x78: {  	_ =	shalt  }
0x79: {  	_ =	shalt  }
0x7a: {  	_ =	shalt  }
0x7b: {  	_ =	shalt  }
0x7c: {  	_ =	shalt  }
0x7d: {  	_ =	shalt  }
0x7e: {  	_ =	shalt  }
0x7f: {  	_ =	shalt  }
0x80: {  	_ =	shalt  }
0x81: {  	_ =	shalt  }
0x82: {  	_ =	shalt  }
0x83: {  	_ =	shalt  }
0x84: {  	_ =	shalt  }
0x85: {  	_ =	shalt  }
0x86: {  	_ =	shalt  }
0x87: {  	_ =	shalt  }
.Lfunc_end0:
.L_simem_size_0:
called_computation_lowered:
.L_overlay_start_0:
0x88: {  	s0 =	sld [smem:$0x3FD9]  }
0x89: {  	s1 =	sld [smem:$0x3FFE];
	_ =	sdelay $0x3  }
0x8a: {  	s0 =	sadd.s32 s1, s0  }
0x8b: {  	[smem:$0x3FC5] =	sst s0  }
0x8c: {  	_ = 	snop  }
0x8d: {  	s0 =	sld [smem:$0x3FD0];
	(tm) =	ssettm $0x1  }
0x8e: {  	s26 =	sld [smem:$0x3FFB];
	_ =	sdelay $0x3  }
0x8f: {  	_ =	strace s26  }
0x90: {  	s1 =	sld [smem:$0x3FFC];
	_ =	sdelay $0x3  }
0x91: {  	_ =	strace s1  }
0x92: {  	s1 =	sld [smem:$0x3FFD];
	_ =	sdelay $0x3  }
0x93: {  	_ =	strace s1  }
0x94: {  	s28 =	simm.s32 $0x1B8B;
	_ =	strace $0x8FFFFFFF  }
0x95: {  	_ =	swait.ge [sflag:s28], $0x1  }
0x96: {  	s2 =	sld [smem:$0x3FFE]  }
0x97: {  	[sflag:s28] =	ssyncset.done $0x0  }
0x98: {  	s29 =	simm.s32 $0x1B8E;
	[sflag:s28] =	ssyncadd.s32 $0xFFFFFFFF  }
0x99: {  	s3 =	simm.s32 $0x10;
	[smem:$0x3FD2] =	sst s29  }
0x9a: {  	s1 =	simm.s32 $0x9;
	_ =	strace $0x80000046;
	s2 =	sadd.s32 $0x800, s2  }
0x9b: {  	[smem:s3], [sflag:s1] =	dma.local [hbm:s2], $0x10  }
0x9c: {  	_ =	swait.ge [sflag:s1], $0x10  }
0x9d: {  	[sflag:s1] =	ssyncset.done $0x0  }
0x9e: {  	[sflag:s1] =	ssyncadd.s32 $0xFFFFFFF0  }
0x9f: {  	s30 =	sld [smem:$0x25]  }
0xa0: {  	s4 =	sld [smem:$0x3A]  }
0xa1: {  	s5 =	sld [smem:$0x24]  }
0xa2: {  	s6 =	sld [smem:$0x39]  }
0xa3: {  	s7 =	sld [smem:$0x23]  }
0xa4: {  	s8 =	sld [smem:$0x38]  }
0xa5: {  	s3 =	sld [smem:$0x10]  }
0xa6: {  	s31 =	sld [smem:$0x22]  }
0xa7: {  	s9 =	sld [smem:$0x37]  }
0xa8: {  	s10 =	sld [smem:$0x21]  }
0xa9: {  	s11 =	sld [smem:$0x36]  }
0xaa: {  	s12 =	sld [smem:$0x20]  }
0xab: {  	s13 =	sld [smem:$0x35]  }
0xac: {  	s14 =	sld [smem:$0x1F]  }
0xad: {  	s15 =	sld [smem:$0x34]  }
0xae: {  	s16 =	sld [smem:$0x1E]  }
0xaf: {  	s17 =	sld [smem:$0x33]  }
0xb0: {  	s18 =	sld [smem:$0x1D]  }
0xb1: {  	s19 =	sld [smem:$0x32]  }
0xb2: {  	s20 =	sld [smem:$0x1C]  }
0xb3: {  	s21 =	sld [smem:$0x31]  }
0xb4: {  	s22 =	sld [smem:$0x30]  }
0xb5: {  	s23 =	sld [smem:$0x1A]  }
0xb6: {  	s24 =	sld [smem:$0x2F]  }
0xb7: {  	s25 =	sld [smem:$0x19]  }
0xb8: {  	s26 =	sld [smem:$0x2E]  }
0xb9: {  	s28 =	sld [smem:$0x18]  }
0xba: {  	s29 =	sld [smem:$0x2D]  }
0xbb: {  	s2 =	sadd.f32 s4, s30  }
0xbc: {  	s4 =	sadd.f32 s6, s5  }
0xbd: {  	s6 =	sadd.f32 s8, s7  }
0xbe: {  	s9 =	sadd.f32 s9, s31  }
0xbf: {  	s11 =	sadd.f32 s11, s10  }
0xc0: {  	s13 =	sadd.f32 s13, s12  }
0xc1: {  	s15 =	sadd.f32 s15, s14  }
0xc2: {  	p0 =	sle.f32 s3, s5;
	s5 =	sld [smem:$0x1B]  }
0xc3: {  	s8 =	sadd.f32 s21, s20  }
0xc4: {  	s30 =	sld [smem:$0x17]  }
0xc5: {  	s21 =	sld [smem:$0x28]  }
0xc6: {  	p1 =	sle.f32 s3, s7;
	s2 =	smov.u32 @p0 s4;
	s4 =	sadd.f32 s17, s16  }
0xc7: {  	p0 =	sle.f32 s3, s31;
	s31 =	sld [smem:$0x2C]  }
0xc8: {  	s17 =	sld [smem:$0x2A]  }
0xc9: {  	s2 =	smov.u32 @p1 s6;
	s6 =	sadd.f32 s19, s18  }
0xca: {  	p1 =	sle.f32 s3, s10;
	s10 =	sadd.f32 s29, s28  }
0xcb: {  	s19 =	sld [smem:$0x29]  }
0xcc: {  	s7 =	sadd.f32 s22, s5  }
0xcd: {  	s2 =	smov.u32 @p0 s9;
	p0 =	sle.f32 s3, s12;
	s12 =	sld [smem:$0x16]  }
0xce: {  	s22 =	sld [smem:$0x12]  }
0xcf: {  	s2 =	smov.u32 @p1 s11;
	p1 =	sle.f32 s3, s14;
	s14 =	sld [smem:$0x2B]  }
0xd0: {  	s2 =	smov.u32 @p0 s13;
	p0 =	sle.f32 s3, s16;
	s16 =	sld [smem:$0x15]  }
0xd1: {  	s2 =	smov.u32 @p1 s15;
	p1 =	sle.f32 s3, s18;
	s18 =	sld [smem:$0x14]  }
0xd2: {  	s2 =	smov.u32 @p0 s4;
	s4 =	sadd.f32 s24, s23  }
0xd3: {  	p0 =	sle.f32 s3, s20;
	s20 =	sld [smem:$0x13]  }
0xd4: {  	s24 =	sld [smem:$0x11];
	s2 =	smov.u32 @p1 s6;
	p1 =	sle.f32 s3, s5  }
0xd5: {  	s6 =	sadd.f32 s26, s25;
	s2 =	smov.u32 @p0 s8;
	p0 =	sle.f32 s3, s23  }
0xd6: {  	s5 =	sadd.f32 s31, s30;
	s2 =	smov.u32 @p1 s7;
	p1 =	sle.f32 s3, s25  }
0xd7: {  	s23 =	sld [smem:$0x27];
	s2 =	smov.u32 @p0 s4;
	p0 =	sle.f32 s3, s28  }
0xd8: {  	s7 =	sadd.f32 s14, s12;
	s2 =	smov.u32 @p1 s6;
	p1 =	sle.f32 s3, s30  }
0xd9: {  	s25 =	sld [smem:$0x26];
	s2 =	smov.u32 @p0 s10;
	p0 =	sle.f32 s3, s12  }
0xda: {  	s2 =	smov.u32 @p1 s5;
	s5 =	sadd.f32 s17, s16;
	p1 =	sle.f32 s3, s16  }
0xdb: {  	s6 =	sadd.f32 s19, s18;
	s2 =	smov.u32 @p0 s7;
	p0 =	sle.f32 s3, s18  }
0xdc: {  	s8 =	sadd.f32 s21, s20;
	s2 =	smov.u32 @p1 s5;
	p1 =	sle.f32 s3, s20  }
0xdd: {  	s5 =	sadd.f32 s23, s22;
	s2 =	smov.u32 @p0 s6;
	p0 =	sle.f32 s3, s22  }
0xde: {  	s2 =	smov.u32 @p1 s8;
	p1 =	sle.f32 s3, s24;
	s3 =	sadd.f32 s25, s24  }
0xdf: {  	s2 =	smov.u32 @p0 s5  }
0xe0: {  	s2 =	smov.u32 @p1 s3  }
0xe1: {  	s26 =	simm.s32 $0x90;
	[smem:$0x90] =	sst s2  }
0xe2: {  	[hbm:s0], [sflag:s1] =	dma.local [smem:s26], $0x10  }
0xe3: {  	_ =	swait.ge [sflag:s1], $0x10  }
0xe4: {  	[sflag:s1] =	ssyncset.done $0x0  }
0xe5: {  	[sflag:s1] =	ssyncadd.s32 $0xFFFFFFF0  }
0xe6: {  	_ =	strace $0x90000046  }
0xe7: {  	_ =	sfence  }
0xe8: {  	s28 =	sld [smem:$0x0];
	_ =	sdelay $0x1  }
0xe9: {  	s29 =	srdreg.scid  }
0xea: {  	s31 =	sshrl.u32 s29, $0x2;
	s30 =	sshll.u32 s29, $0xD  }
0xeb: {  	s2 =	sand.u32 $0x4000, s30;
	s1 =	sand.u32 $0x1, s29;
	s0 =	sadd.s32 s31, s28  }
0xec: {  	s1 =	sor.u32 s2, s1;
	s0 =	sshll.u32 s0, $0x11  }
0xed: {  	s0 =	sor.u32 s0, s1  }
0xee: {  	s0 =	sadd.s32 $0x8F2B, s0;
	(pc) =	sbr.abs _section_cstart, $3  }
0xef: {  	[sflag:s0] =	ssyncadd.remote.s32 $0x1  }
0xf0: {  	_ =	strace $0x9FFFFFFF  }
0xf1: {  	(tm) =	ssettm $0x7FFFFFFF  }

</sc_bundles>
